<compile_context>
chip_gen: v7x
topology: tpu7x:2x2x1
jax: 0.10.2.dev20260603
libtpu: 0.0.44.dev20260713+nightly
codegen_flags: <defaults>
</compile_context>

<pallas_src>
import functools

import jax
import jax.numpy as jnp
from jax import lax
from jax.experimental import pallas as pl
from jax.experimental.pallas import tpu as pltpu
from jax.experimental.pallas import tpu_sc as plsc


def _chunk_offsets(total):
    sizes = []
    left = total
    while left > 128:
        sizes.append(128)
        left -= 128
    if left > 64:
        sizes.append(64)
        left -= 64
    sizes.append(left)
    offs, o = [], 0
    for s in sizes:
        offs.append((o, s))
        o += s
    return tuple(offs)


@functools.lru_cache(maxsize=None)
def _make_gather(vocab, dim, batch):
    info = plsc.get_sparse_core_info()
    num_sub = info.num_subcores
    num_workers = info.num_cores * num_sub
    b_per_w = batch // num_workers
    assert batch % num_workers == 0
    chunks = _chunk_offsets(b_per_w)
    n_chunks = len(chunks)
    n_hbm = min(1, n_chunks - 1)
    v_share = (-(-vocab // num_sub) + 7) // 8 * 8
    n_copiers = vocab // v_share
    v_rem = vocab - n_copiers * v_share
    assert v_rem % 8 == 0 and n_copiers + (1 if v_rem else 0) <= num_sub

    mesh = plsc.VectorSubcoreMesh(core_axis_name="c", subcore_axis_name="s")

    @functools.partial(
        pl.kernel,
        mesh=mesh,
        out_type=jax.ShapeDtypeStruct((batch, dim), jnp.float32),
        scratch_types=[
            pltpu.VMEM((b_per_w,), jnp.int32),
            pltpu.VMEM((b_per_w, dim), jnp.float32),
            pltpu.VMEM_SHARED((vocab, dim), jnp.float32),
            pltpu.SemaphoreType.DMA((n_chunks,)),
            pltpu.SemaphoreType.DMA,
            pltpu.SemaphoreType.DMA,
        ],
    )
    def gather_kernel(idx_hbm, table_hbm, out_hbm, idx_v, rows_v, table_sp,
                      gsem, wsem, ssem):
        sid = lax.axis_index("s")
        wid = sid * info.num_cores + lax.axis_index("c")
        base = wid * b_per_w
        if v_rem:
            @pl.when(sid == n_copiers)
            def _copy_rem():
                pltpu.async_copy(
                    table_hbm.at[pl.ds(n_copiers * v_share, v_rem)],
                    table_sp.at[pl.ds(n_copiers * v_share, v_rem)],
                    ssem)

        @pl.when(sid < n_copiers)
        def _copy_share():
            row0 = sid * v_share
            pltpu.async_copy(table_hbm.at[pl.ds(row0, v_share)],
                             table_sp.at[pl.ds(row0, v_share)],
                             ssem)

        pltpu.sync_copy(idx_hbm.at[pl.ds(base, b_per_w)], idx_v)

        gathers = [
            pltpu.async_copy(
                table_hbm.at[idx_v.at[pl.ds(o, s)]],
                rows_v.at[pl.ds(o, s)],
                gsem.at[j],
            )
            for j, (o, s) in enumerate(chunks)
            if j < n_hbm
        ]

        if v_rem:
            @pl.when(sid == n_copiers)
            def _wait_rem():
                pltpu.make_async_copy(
                    table_hbm.at[pl.ds(n_copiers * v_share, v_rem)],
                    table_sp.at[pl.ds(n_copiers * v_share, v_rem)],
                    ssem).wait()

        @pl.when(sid < n_copiers)
        def _wait_share():
            row0 = sid * v_share
            pltpu.make_async_copy(table_hbm.at[pl.ds(row0, v_share)],
                                  table_sp.at[pl.ds(row0, v_share)],
                                  ssem).wait()

        plsc.subcore_barrier()
        gathers += [
            pltpu.async_copy(
                table_sp.at[idx_v.at[pl.ds(o, s)]],
                rows_v.at[pl.ds(o, s)],
                gsem.at[j],
            )
            for j, (o, s) in enumerate(chunks)
            if j >= n_hbm
        ]
        writes = []
        for j, (o, s) in enumerate(chunks):
            gathers[j].wait()
            writes.append(
                pltpu.async_copy(
                    rows_v.at[pl.ds(o, s)],
                    out_hbm.at[pl.ds(base + o, s)],
                    wsem,
                )
            )
        for w in writes:
            w.wait()

    return gather_kernel


def kernel(timesteps, table):
    batch = timesteps.shape[0]
    vocab, dim = table.shape
    return _make_gather(vocab, dim, batch)(timesteps.astype(jnp.int32), table)

# --- scband reference (transcript-rebuilt; emitter-appended) ---
"""Pipeline reference for scband-learned-time-embedding-46256797778534 (READ-ONLY COPY).

The authoritative reference and input builder live on the scoring server;
editing this copy changes nothing except your own understanding.
"""

import jax, jax.numpy as jnp
import numpy as np

DIM = 128
MAX_STEPS = 1000
BATCH = 16384

def setup_inputs(seed: int = 0) -> dict:
    key = jax.random.key(seed)
    k_idx, k_tab = jax.random.split(key)
    timesteps = jax.random.randint(k_idx, (BATCH,), 0, MAX_STEPS, dtype=jnp.int64 if jax.config.jax_enable_x64 else jnp.int32)
    table = jax.random.normal(k_tab, (MAX_STEPS, DIM), dtype=jnp.float32)
    return {"timesteps": timesteps, "table": table}

def reference(timesteps, table):
    # nn.Embedding forward: row-gather from the learned table
    return jnp.take(table, timesteps, axis=0)

if __name__ == "__main__":
    import jax
    _d = setup_inputs()
    print(jax.jit(kernel)(*tuple(_d.values())))

</pallas_src>

<mosaic_0001>
#map = affine_map<(d0, d1) -> (0)>
#map1 = affine_map<(d0, d1) -> (0, 0)>
module attributes {stable_mosaic.version = 14 : i64} {
  func.func @gather_kernel(%arg0: i32, %arg1: i32, %arg2: memref<16384xi32, #tpu.memory_space<hbm>>, %arg3: memref<1000x128xf32, #tpu.memory_space<hbm>>, %arg4: memref<16384x128xf32, #tpu.memory_space<hbm>>, %arg5: memref<512xi32, #tpu.memory_space<vmem>>, %arg6: memref<512x128xf32, #tpu.memory_space<vmem>>, %arg7: memref<1000x128xf32, #tpu.memory_space<vmem_shared>>, %arg8: memref<5x!tpu.dma_semaphore, #tpu.memory_space<semaphore_mem>>, %arg9: memref<!tpu.dma_semaphore, #tpu.memory_space<semaphore_mem>>, %arg10: memref<!tpu.dma_semaphore, #tpu.memory_space<semaphore_mem>>) attributes {dimension_semantics = [#tpu.dimension_semantics<core_parallel>, #tpu.dimension_semantics<subcore_parallel>], iteration_bounds = array<i64: 2, 16>, scalar_prefetch = 0 : i64, scratch_operands = 6 : i64, tpu.core_type = #tpu.core_type<sc_vector_subcore>, window_params = [{transform_indices = #map}, {transform_indices = #map1}, {transform_indices = #map1}]} {
    %mul3A = arith.constant 2 : i32
    %mul3A_0 = arith.muli %arg1, %mul3A : i32
    %add3A = arith.addi %mul3A_0, %arg0 : i32
    %mul3A_1 = arith.constant 512 : i32
    %mul3A_2 = arith.muli %add3A, %mul3A_1 : i32
    %eq3A = arith.constant 15 : i32
    %eq3A_3 = arith.cmpi eq, %arg1, %eq3A : i32
    %convert_element_type3A = arith.extui %eq3A_3 : i1 to i32
    %cond3A = arith.constant 0 : i32
    %cond3A_4 = arith.cmpi ne, %convert_element_type3A, %cond3A : i32
    scf.if %cond3A_4 {
      %dma_start3A_237 = arith.constant 960 : i32
      %dma_start3A_238 = arith.constant 0 : i32
      %dma_start3A_239 = tpu.memref_slice %arg7[%dma_start3A_237, %dma_start3A_238] : memref<1000x128xf32, #tpu.memory_space<vmem_shared>> -> memref<40x128xf32, #tpu.memory_space<vmem_shared>>
      %dma_start3A_240 = arith.constant 960 : i32
      %dma_start3A_241 = arith.constant 0 : i32
      %dma_start3A_242 = tpu.memref_slice %arg3[%dma_start3A_240, %dma_start3A_241] : memref<1000x128xf32, #tpu.memory_space<hbm>> -> memref<40x128xf32, #tpu.memory_space<hbm>>
      tpu.enqueue_dma source(%dma_start3A_242 : memref<40x128xf32, #tpu.memory_space<hbm>>) target(%dma_start3A_239 : memref<40x128xf32, #tpu.memory_space<vmem_shared>>) target_semaphore(%arg10 : memref<!tpu.dma_semaphore, #tpu.memory_space<semaphore_mem>>)
    } else {
    }
    %lt3A = arith.constant 15 : i32
    %lt3A_5 = arith.cmpi slt, %arg1, %lt3A : i32
    %convert_element_type3A_6 = arith.extui %lt3A_5 : i1 to i32
    %cond3A_7 = arith.constant 0 : i32
    %cond3A_8 = arith.cmpi ne, %convert_element_type3A_6, %cond3A_7 : i32
    scf.if %cond3A_8 {
      %mul3A_237 = arith.constant 64 : i32
      %mul3A_238 = arith.muli %arg1, %mul3A_237 : i32
      %dma_start3A_239 = arith.constant 0 : i32
      %dma_start3A_240 = tpu.memref_slice %arg7[%mul3A_238, %dma_start3A_239] : memref<1000x128xf32, #tpu.memory_space<vmem_shared>> -> memref<64x128xf32, #tpu.memory_space<vmem_shared>>
      %dma_start3A_241 = arith.constant 0 : i32
      %dma_start3A_242 = tpu.memref_slice %arg3[%mul3A_238, %dma_start3A_241] : memref<1000x128xf32, #tpu.memory_space<hbm>> -> memref<64x128xf32, #tpu.memory_space<hbm>>
      tpu.enqueue_dma source(%dma_start3A_242 : memref<64x128xf32, #tpu.memory_space<hbm>>) target(%dma_start3A_240 : memref<64x128xf32, #tpu.memory_space<vmem_shared>>) target_semaphore(%arg10 : memref<!tpu.dma_semaphore, #tpu.memory_space<semaphore_mem>>)
    } else {
    }
    "tpu.region"() ({
      %run_scoped3A = tpu.sem_alloc : memref<!tpu.dma_semaphore, #tpu.memory_space<semaphore_mem>>
      %dma_start3A_237 = tpu.memref_slice %arg2[%mul3A_2] : memref<16384xi32, #tpu.memory_space<hbm>> -> memref<512xi32, #tpu.memory_space<hbm>>
      %dma_start3A_238 = tpu.memref_slice %arg2[%mul3A_2] : memref<16384xi32, #tpu.memory_space<hbm>> -> memref<512xi32, #tpu.memory_space<hbm>>
      tpu.enqueue_dma source(%dma_start3A_238 : memref<512xi32, #tpu.memory_space<hbm>>) target(%arg5 : memref<512xi32, #tpu.memory_space<vmem>>) target_semaphore(%run_scoped3A : memref<!tpu.dma_semaphore, #tpu.memory_space<semaphore_mem>>)
      %dma_wait3A_239 = tpu.memref_slice %arg2[%mul3A_2] : memref<16384xi32, #tpu.memory_space<hbm>> -> memref<512xi32, #tpu.memory_space<hbm>>
      %dma_wait3A_240 = tpu.memref_slice %arg2[%mul3A_2] : memref<16384xi32, #tpu.memory_space<hbm>> -> memref<512xi32, #tpu.memory_space<hbm>>
      tpu.wait_dma2 semaphore(%run_scoped3A : memref<!tpu.dma_semaphore, #tpu.memory_space<semaphore_mem>>) src(%dma_wait3A_240 : memref<512xi32, #tpu.memory_space<hbm>>) dst(%arg5 : memref<512xi32, #tpu.memory_space<vmem>>)
      tpu.yield
    }) : () -> ()
    %dma_start3A = arith.constant 0 : i32
    %dma_start3A_9 = arith.constant 0 : i32
    %dma_start3A_10 = arith.constant 0 : i32
    %dma_start3A_11 = tpu.memref_slice %arg6[%dma_start3A_9, %dma_start3A_10] : memref<512x128xf32, #tpu.memory_space<vmem>> -> memref<128x128xf32, #tpu.memory_space<vmem>>
    %dma_start3A_12 = arith.constant 0 : i32
    %dma_start3A_13 = tpu.memref_slice %arg5[%dma_start3A_12] : memref<512xi32, #tpu.memory_space<vmem>> -> memref<128xi32, #tpu.memory_space<vmem>>
    %dma_start3A_14 = arith.constant 0 : i32
    %dma_start3A_15 = arith.constant 0 : i32
    %dma_start3A_16 = tpu.memref_slice %arg3[%dma_start3A_14, %dma_start3A_15] : memref<1000x128xf32, #tpu.memory_space<hbm>> -> memref<1000x128xf32, #tpu.memory_space<hbm>>
    %dma_start3A_17 = tpu.memref_slice %arg8[%dma_start3A] : memref<5x!tpu.dma_semaphore, #tpu.memory_space<semaphore_mem>> -> memref<1x!tpu.dma_semaphore, #tpu.memory_space<semaphore_mem>>
    %dma_start3A_18 = tpu.memref_squeeze %dma_start3A_17 : memref<1x!tpu.dma_semaphore, #tpu.memory_space<semaphore_mem>> -> memref<!tpu.dma_semaphore, #tpu.memory_space<semaphore_mem>>
    tpu.enqueue_indirect_dma source(%dma_start3A_16 : memref<1000x128xf32, #tpu.memory_space<hbm>>) target(%dma_start3A_11 : memref<128x128xf32, #tpu.memory_space<vmem>>) offsets(%dma_start3A_13 : memref<128xi32, #tpu.memory_space<vmem>>) semaphore(%dma_start3A_18 : memref<!tpu.dma_semaphore, #tpu.memory_space<semaphore_mem>>)
    %eq3A_19 = arith.constant 15 : i32
    %eq3A_20 = arith.cmpi eq, %arg1, %eq3A_19 : i32
    %convert_element_type3A_21 = arith.extui %eq3A_20 : i1 to i32
    %cond3A_22 = arith.constant 0 : i32
    %cond3A_23 = arith.cmpi ne, %convert_element_type3A_21, %cond3A_22 : i32
    scf.if %cond3A_23 {
      %dma_wait3A_237 = arith.constant 960 : i32
      %dma_wait3A_238 = arith.constant 0 : i32
      %dma_wait3A_239 = tpu.memref_slice %arg7[%dma_wait3A_237, %dma_wait3A_238] : memref<1000x128xf32, #tpu.memory_space<vmem_shared>> -> memref<40x128xf32, #tpu.memory_space<vmem_shared>>
      %dma_wait3A_240 = arith.constant 960 : i32
      %dma_wait3A_241 = arith.constant 0 : i32
      %dma_wait3A_242 = tpu.memref_slice %arg3[%dma_wait3A_240, %dma_wait3A_241] : memref<1000x128xf32, #tpu.memory_space<hbm>> -> memref<40x128xf32, #tpu.memory_space<hbm>>
      tpu.wait_dma2 semaphore(%arg10 : memref<!tpu.dma_semaphore, #tpu.memory_space<semaphore_mem>>) src(%dma_wait3A_242 : memref<40x128xf32, #tpu.memory_space<hbm>>) dst(%dma_wait3A_239 : memref<40x128xf32, #tpu.memory_space<vmem_shared>>)
    } else {
    }
    %lt3A_24 = arith.constant 15 : i32
    %lt3A_25 = arith.cmpi slt, %arg1, %lt3A_24 : i32
    %convert_element_type3A_26 = arith.extui %lt3A_25 : i1 to i32
    %cond3A_27 = arith.constant 0 : i32
    %cond3A_28 = arith.cmpi ne, %convert_element_type3A_26, %cond3A_27 : i32
    scf.if %cond3A_28 {
      %mul3A_237 = arith.constant 64 : i32
      %mul3A_238 = arith.muli %arg1, %mul3A_237 : i32
      %dma_wait3A_239 = arith.constant 0 : i32
      %dma_wait3A_240 = tpu.memref_slice %arg7[%mul3A_238, %dma_wait3A_239] : memref<1000x128xf32, #tpu.memory_space<vmem_shared>> -> memref<64x128xf32, #tpu.memory_space<vmem_shared>>
      %dma_wait3A_241 = arith.constant 0 : i32
      %dma_wait3A_242 = tpu.memref_slice %arg3[%mul3A_238, %dma_wait3A_241] : memref<1000x128xf32, #tpu.memory_space<hbm>> -> memref<64x128xf32, #tpu.memory_space<hbm>>
      tpu.wait_dma2 semaphore(%arg10 : memref<!tpu.dma_semaphore, #tpu.memory_space<semaphore_mem>>) src(%dma_wait3A_242 : memref<64x128xf32, #tpu.memory_space<hbm>>) dst(%dma_wait3A_240 : memref<64x128xf32, #tpu.memory_space<vmem_shared>>)
    } else {
    }
    %barrier3A = arith.constant 0 : index
    tpu.barrier barrier_id(%barrier3A)
    %dma_start3A_29 = arith.constant 1 : i32
    %dma_start3A_30 = arith.constant 128 : i32
    %dma_start3A_31 = arith.constant 0 : i32
    %dma_start3A_32 = tpu.memref_slice %arg6[%dma_start3A_30, %dma_start3A_31] : memref<512x128xf32, #tpu.memory_space<vmem>> -> memref<128x128xf32, #tpu.memory_space<vmem>>
    %dma_start3A_33 = arith.constant 128 : i32
    %dma_start3A_34 = tpu.memref_slice %arg5[%dma_start3A_33] : memref<512xi32, #tpu.memory_space<vmem>> -> memref<128xi32, #tpu.memory_space<vmem>>
    %dma_start3A_35 = arith.constant 0 : i32
    %dma_start3A_36 = arith.constant 0 : i32
    %dma_start3A_37 = tpu.memref_slice %arg7[%dma_start3A_35, %dma_start3A_36] : memref<1000x128xf32, #tpu.memory_space<vmem_shared>> -> memref<1000x128xf32, #tpu.memory_space<vmem_shared>>
    %dma_start3A_38 = tpu.memref_slice %arg8[%dma_start3A_29] : memref<5x!tpu.dma_semaphore, #tpu.memory_space<semaphore_mem>> -> memref<1x!tpu.dma_semaphore, #tpu.memory_space<semaphore_mem>>
    %dma_start3A_39 = tpu.memref_squeeze %dma_start3A_38 : memref<1x!tpu.dma_semaphore, #tpu.memory_space<semaphore_mem>> -> memref<!tpu.dma_semaphore, #tpu.memory_space<semaphore_mem>>
    tpu.enqueue_indirect_dma source(%dma_start3A_37 : memref<1000x128xf32, #tpu.memory_space<vmem_shared>>) target(%dma_start3A_32 : memref<128x128xf32, #tpu.memory_space<vmem>>) offsets(%dma_start3A_34 : memref<128xi32, #tpu.memory_space<vmem>>) semaphore(%dma_start3A_39 : memref<!tpu.dma_semaphore, #tpu.memory_space<semaphore_mem>>)
    %dma_start3A_40 = arith.constant 2 : i32
    %dma_start3A_41 = arith.constant 256 : i32
    %dma_start3A_42 = arith.constant 0 : i32
    %dma_start3A_43 = tpu.memref_slice %arg6[%dma_start3A_41, %dma_start3A_42] : memref<512x128xf32, #tpu.memory_space<vmem>> -> memref<128x128xf32, #tpu.memory_space<vmem>>
    %dma_start3A_44 = arith.constant 256 : i32
    %dma_start3A_45 = tpu.memref_slice %arg5[%dma_start3A_44] : memref<512xi32, #tpu.memory_space<vmem>> -> memref<128xi32, #tpu.memory_space<vmem>>
    %dma_start3A_46 = arith.constant 0 : i32
    %dma_start3A_47 = arith.constant 0 : i32
    %dma_start3A_48 = tpu.memref_slice %arg7[%dma_start3A_46, %dma_start3A_47] : memref<1000x128xf32, #tpu.memory_space<vmem_shared>> -> memref<1000x128xf32, #tpu.memory_space<vmem_shared>>
    %dma_start3A_49 = tpu.memref_slice %arg8[%dma_start3A_40] : memref<5x!tpu.dma_semaphore, #tpu.memory_space<semaphore_mem>> -> memref<1x!tpu.dma_semaphore, #tpu.memory_space<semaphore_mem>>
    %dma_start3A_50 = tpu.memref_squeeze %dma_start3A_49 : memref<1x!tpu.dma_semaphore, #tpu.memory_space<semaphore_mem>> -> memref<!tpu.dma_semaphore, #tpu.memory_space<semaphore_mem>>
    tpu.enqueue_indirect_dma source(%dma_start3A_48 : memref<1000x128xf32, #tpu.memory_space<vmem_shared>>) target(%dma_start3A_43 : memref<128x128xf32, #tpu.memory_space<vmem>>) offsets(%dma_start3A_45 : memref<128xi32, #tpu.memory_space<vmem>>) semaphore(%dma_start3A_50 : memref<!tpu.dma_semaphore, #tpu.memory_space<semaphore_mem>>)
    %dma_start3A_51 = arith.constant 3 : i32
    %dma_start3A_52 = arith.constant 384 : i32
    %dma_start3A_53 = arith.constant 0 : i32
    %dma_start3A_54 = tpu.memref_slice %arg6[%dma_start3A_52, %dma_start3A_53] : memref<512x128xf32, #tpu.memory_space<vmem>> -> memref<64x128xf32, #tpu.memory_space<vmem>>
    %dma_start3A_55 = arith.constant 384 : i32
    %dma_start3A_56 = tpu.memref_slice %arg5[%dma_start3A_55] : memref<512xi32, #tpu.memory_space<vmem>> -> memref<64xi32, #tpu.memory_space<vmem>>
    %dma_start3A_57 = arith.constant 0 : i32
    %dma_start3A_58 = arith.constant 0 : i32
    %dma_start3A_59 = tpu.memref_slice %arg7[%dma_start3A_57, %dma_start3A_58] : memref<1000x128xf32, #tpu.memory_space<vmem_shared>> -> memref<1000x128xf32, #tpu.memory_space<vmem_shared>>
    %dma_start3A_60 = tpu.memref_slice %arg8[%dma_start3A_51] : memref<5x!tpu.dma_semaphore, #tpu.memory_space<semaphore_mem>> -> memref<1x!tpu.dma_semaphore, #tpu.memory_space<semaphore_mem>>
    %dma_start3A_61 = tpu.memref_squeeze %dma_start3A_60 : memref<1x!tpu.dma_semaphore, #tpu.memory_space<semaphore_mem>> -> memref<!tpu.dma_semaphore, #tpu.memory_space<semaphore_mem>>
    tpu.enqueue_indirect_dma source(%dma_start3A_59 : memref<1000x128xf32, #tpu.memory_space<vmem_shared>>) target(%dma_start3A_54 : memref<64x128xf32, #tpu.memory_space<vmem>>) offsets(%dma_start3A_56 : memref<64xi32, #tpu.memory_space<vmem>>) semaphore(%dma_start3A_61 : memref<!tpu.dma_semaphore, #tpu.memory_space<semaphore_mem>>)
    %dma_start3A_62 = arith.constant 4 : i32
    %dma_start3A_63 = arith.constant 448 : i32
    %dma_start3A_64 = arith.constant 0 : i32
    %dma_start3A_65 = tpu.memref_slice %arg6[%dma_start3A_63, %dma_start3A_64] : memref<512x128xf32, #tpu.memory_space<vmem>> -> memref<64x128xf32, #tpu.memory_space<vmem>>
    %dma_start3A_66 = arith.constant 448 : i32
    %dma_start3A_67 = tpu.memref_slice %arg5[%dma_start3A_66] : memref<512xi32, #tpu.memory_space<vmem>> -> memref<64xi32, #tpu.memory_space<vmem>>
    %dma_start3A_68 = arith.constant 0 : i32
    %dma_start3A_69 = arith.constant 0 : i32
    %dma_start3A_70 = tpu.memref_slice %arg7[%dma_start3A_68, %dma_start3A_69] : memref<1000x128xf32, #tpu.memory_space<vmem_shared>> -> memref<1000x128xf32, #tpu.memory_space<vmem_shared>>
    %dma_start3A_71 = tpu.memref_slice %arg8[%dma_start3A_62] : memref<5x!tpu.dma_semaphore, #tpu.memory_space<semaphore_mem>> -> memref<1x!tpu.dma_semaphore, #tpu.memory_space<semaphore_mem>>
    %dma_start3A_72 = tpu.memref_squeeze %dma_start3A_71 : memref<1x!tpu.dma_semaphore, #tpu.memory_space<semaphore_mem>> -> memref<!tpu.dma_semaphore, #tpu.memory_space<semaphore_mem>>
    tpu.enqueue_indirect_dma source(%dma_start3A_70 : memref<1000x128xf32, #tpu.memory_space<vmem_shared>>) target(%dma_start3A_65 : memref<64x128xf32, #tpu.memory_space<vmem>>) offsets(%dma_start3A_67 : memref<64xi32, #tpu.memory_space<vmem>>) semaphore(%dma_start3A_72 : memref<!tpu.dma_semaphore, #tpu.memory_space<semaphore_mem>>)
    %dma_wait3A = arith.constant 0 : i32
    %dma_wait3A_73 = arith.constant 0 : i32
    %dma_wait3A_74 = arith.constant 0 : i32
    %dma_wait3A_75 = tpu.memref_slice %arg6[%dma_wait3A_73, %dma_wait3A_74] : memref<512x128xf32, #tpu.memory_space<vmem>> -> memref<128x128xf32, #tpu.memory_space<vmem>>
    %dma_wait3A_76 = arith.constant 0 : i32
    %dma_wait3A_77 = tpu.memref_slice %arg5[%dma_wait3A_76] : memref<512xi32, #tpu.memory_space<vmem>> -> memref<128xi32, #tpu.memory_space<vmem>>
    %dma_wait3A_78 = arith.constant 0 : i32
    %dma_wait3A_79 = arith.constant 0 : i32
    %dma_wait3A_80 = tpu.memref_slice %arg3[%dma_wait3A_78, %dma_wait3A_79] : memref<1000x128xf32, #tpu.memory_space<hbm>> -> memref<1000x128xf32, #tpu.memory_space<hbm>>
    %dma_wait3A_81 = tpu.memref_slice %arg8[%dma_wait3A] : memref<5x!tpu.dma_semaphore, #tpu.memory_space<semaphore_mem>> -> memref<1x!tpu.dma_semaphore, #tpu.memory_space<semaphore_mem>>
    %dma_wait3A_82 = tpu.memref_squeeze %dma_wait3A_81 : memref<1x!tpu.dma_semaphore, #tpu.memory_space<semaphore_mem>> -> memref<!tpu.dma_semaphore, #tpu.memory_space<semaphore_mem>>
    tpu.wait_indirect_dma semaphore(%dma_wait3A_82 : memref<!tpu.dma_semaphore, #tpu.memory_space<semaphore_mem>>) src(%dma_wait3A_80 : memref<1000x128xf32, #tpu.memory_space<hbm>>) dst(%dma_wait3A_75 : memref<128x128xf32, #tpu.memory_space<vmem>>)
    %add3A_83 = arith.constant 0 : i32
    %add3A_84 = arith.addi %mul3A_2, %add3A_83 : i32
    %dma_start3A_85 = arith.constant 0 : i32
    %dma_start3A_86 = arith.constant 0 : i32
    %dma_start3A_87 = tpu.memref_slice %arg6[%dma_start3A_85, %dma_start3A_86] : memref<512x128xf32, #tpu.memory_space<vmem>> -> memref<128x128xf32, #tpu.memory_space<vmem>>
    %dma_start3A_88 = arith.constant 0 : i32
    %dma_start3A_89 = tpu.memref_slice %arg4[%add3A_84, %dma_start3A_88] : memref<16384x128xf32, #tpu.memory_space<hbm>> -> memref<128x128xf32, #tpu.memory_space<hbm>>
    %dma_start3A_90 = arith.constant 0 : i32
    %dma_start3A_91 = tpu.memref_slice %arg4[%add3A_84, %dma_start3A_90] : memref<16384x128xf32, #tpu.memory_space<hbm>> -> memref<128x128xf32, #tpu.memory_space<hbm>>
    %dma_start3A_92 = arith.constant 0 : i32
    %dma_start3A_93 = arith.constant 0 : i32
    %dma_start3A_94 = tpu.memref_slice %arg6[%dma_start3A_92, %dma_start3A_93] : memref<512x128xf32, #tpu.memory_space<vmem>> -> memref<128x128xf32, #tpu.memory_space<vmem>>
    tpu.enqueue_dma source(%dma_start3A_94 : memref<128x128xf32, #tpu.memory_space<vmem>>) target(%dma_start3A_91 : memref<128x128xf32, #tpu.memory_space<hbm>>) target_semaphore(%arg9 : memref<!tpu.dma_semaphore, #tpu.memory_space<semaphore_mem>>)
    %dma_wait3A_95 = arith.constant 1 : i32
    %dma_wait3A_96 = arith.constant 128 : i32
    %dma_wait3A_97 = arith.constant 0 : i32
    %dma_wait3A_98 = tpu.memref_slice %arg6[%dma_wait3A_96, %dma_wait3A_97] : memref<512x128xf32, #tpu.memory_space<vmem>> -> memref<128x128xf32, #tpu.memory_space<vmem>>
    %dma_wait3A_99 = arith.constant 128 : i32
    %dma_wait3A_100 = tpu.memref_slice %arg5[%dma_wait3A_99] : memref<512xi32, #tpu.memory_space<vmem>> -> memref<128xi32, #tpu.memory_space<vmem>>
    %dma_wait3A_101 = arith.constant 0 : i32
    %dma_wait3A_102 = arith.constant 0 : i32
    %dma_wait3A_103 = tpu.memref_slice %arg7[%dma_wait3A_101, %dma_wait3A_102] : memref<1000x128xf32, #tpu.memory_space<vmem_shared>> -> memref<1000x128xf32, #tpu.memory_space<vmem_shared>>
    %dma_wait3A_104 = tpu.memref_slice %arg8[%dma_wait3A_95] : memref<5x!tpu.dma_semaphore, #tpu.memory_space<semaphore_mem>> -> memref<1x!tpu.dma_semaphore, #tpu.memory_space<semaphore_mem>>
    %dma_wait3A_105 = tpu.memref_squeeze %dma_wait3A_104 : memref<1x!tpu.dma_semaphore, #tpu.memory_space<semaphore_mem>> -> memref<!tpu.dma_semaphore, #tpu.memory_space<semaphore_mem>>
    tpu.wait_indirect_dma semaphore(%dma_wait3A_105 : memref<!tpu.dma_semaphore, #tpu.memory_space<semaphore_mem>>) src(%dma_wait3A_103 : memref<1000x128xf32, #tpu.memory_space<vmem_shared>>) dst(%dma_wait3A_98 : memref<128x128xf32, #tpu.memory_space<vmem>>)
    %add3A_106 = arith.constant 128 : i32
    %add3A_107 = arith.addi %mul3A_2, %add3A_106 : i32
    %dma_start3A_108 = arith.constant 128 : i32
    %dma_start3A_109 = arith.constant 0 : i32
    %dma_start3A_110 = tpu.memref_slice %arg6[%dma_start3A_108, %dma_start3A_109] : memref<512x128xf32, #tpu.memory_space<vmem>> -> memref<128x128xf32, #tpu.memory_space<vmem>>
    %dma_start3A_111 = arith.constant 0 : i32
    %dma_start3A_112 = tpu.memref_slice %arg4[%add3A_107, %dma_start3A_111] : memref<16384x128xf32, #tpu.memory_space<hbm>> -> memref<128x128xf32, #tpu.memory_space<hbm>>
    %dma_start3A_113 = arith.constant 0 : i32
    %dma_start3A_114 = tpu.memref_slice %arg4[%add3A_107, %dma_start3A_113] : memref<16384x128xf32, #tpu.memory_space<hbm>> -> memref<128x128xf32, #tpu.memory_space<hbm>>
    %dma_start3A_115 = arith.constant 128 : i32
    %dma_start3A_116 = arith.constant 0 : i32
    %dma_start3A_117 = tpu.memref_slice %arg6[%dma_start3A_115, %dma_start3A_116] : memref<512x128xf32, #tpu.memory_space<vmem>> -> memref<128x128xf32, #tpu.memory_space<vmem>>
    tpu.enqueue_dma source(%dma_start3A_117 : memref<128x128xf32, #tpu.memory_space<vmem>>) target(%dma_start3A_114 : memref<128x128xf32, #tpu.memory_space<hbm>>) target_semaphore(%arg9 : memref<!tpu.dma_semaphore, #tpu.memory_space<semaphore_mem>>)
    %dma_wait3A_118 = arith.constant 2 : i32
    %dma_wait3A_119 = arith.constant 256 : i32
    %dma_wait3A_120 = arith.constant 0 : i32
    %dma_wait3A_121 = tpu.memref_slice %arg6[%dma_wait3A_119, %dma_wait3A_120] : memref<512x128xf32, #tpu.memory_space<vmem>> -> memref<128x128xf32, #tpu.memory_space<vmem>>
    %dma_wait3A_122 = arith.constant 256 : i32
    %dma_wait3A_123 = tpu.memref_slice %arg5[%dma_wait3A_122] : memref<512xi32, #tpu.memory_space<vmem>> -> memref<128xi32, #tpu.memory_space<vmem>>
    %dma_wait3A_124 = arith.constant 0 : i32
    %dma_wait3A_125 = arith.constant 0 : i32
    %dma_wait3A_126 = tpu.memref_slice %arg7[%dma_wait3A_124, %dma_wait3A_125] : memref<1000x128xf32, #tpu.memory_space<vmem_shared>> -> memref<1000x128xf32, #tpu.memory_space<vmem_shared>>
    %dma_wait3A_127 = tpu.memref_slice %arg8[%dma_wait3A_118] : memref<5x!tpu.dma_semaphore, #tpu.memory_space<semaphore_mem>> -> memref<1x!tpu.dma_semaphore, #tpu.memory_space<semaphore_mem>>
    %dma_wait3A_128 = tpu.memref_squeeze %dma_wait3A_127 : memref<1x!tpu.dma_semaphore, #tpu.memory_space<semaphore_mem>> -> memref<!tpu.dma_semaphore, #tpu.memory_space<semaphore_mem>>
    tpu.wait_indirect_dma semaphore(%dma_wait3A_128 : memref<!tpu.dma_semaphore, #tpu.memory_space<semaphore_mem>>) src(%dma_wait3A_126 : memref<1000x128xf32, #tpu.memory_space<vmem_shared>>) dst(%dma_wait3A_121 : memref<128x128xf32, #tpu.memory_space<vmem>>)
    %add3A_129 = arith.constant 256 : i32
    %add3A_130 = arith.addi %mul3A_2, %add3A_129 : i32
    %dma_start3A_131 = arith.constant 256 : i32
    %dma_start3A_132 = arith.constant 0 : i32
    %dma_start3A_133 = tpu.memref_slice %arg6[%dma_start3A_131, %dma_start3A_132] : memref<512x128xf32, #tpu.memory_space<vmem>> -> memref<128x128xf32, #tpu.memory_space<vmem>>
    %dma_start3A_134 = arith.constant 0 : i32
    %dma_start3A_135 = tpu.memref_slice %arg4[%add3A_130, %dma_start3A_134] : memref<16384x128xf32, #tpu.memory_space<hbm>> -> memref<128x128xf32, #tpu.memory_space<hbm>>
    %dma_start3A_136 = arith.constant 0 : i32
    %dma_start3A_137 = tpu.memref_slice %arg4[%add3A_130, %dma_start3A_136] : memref<16384x128xf32, #tpu.memory_space<hbm>> -> memref<128x128xf32, #tpu.memory_space<hbm>>
    %dma_start3A_138 = arith.constant 256 : i32
    %dma_start3A_139 = arith.constant 0 : i32
    %dma_start3A_140 = tpu.memref_slice %arg6[%dma_start3A_138, %dma_start3A_139] : memref<512x128xf32, #tpu.memory_space<vmem>> -> memref<128x128xf32, #tpu.memory_space<vmem>>
    tpu.enqueue_dma source(%dma_start3A_140 : memref<128x128xf32, #tpu.memory_space<vmem>>) target(%dma_start3A_137 : memref<128x128xf32, #tpu.memory_space<hbm>>) target_semaphore(%arg9 : memref<!tpu.dma_semaphore, #tpu.memory_space<semaphore_mem>>)
    %dma_wait3A_141 = arith.constant 3 : i32
    %dma_wait3A_142 = arith.constant 384 : i32
    %dma_wait3A_143 = arith.constant 0 : i32
    %dma_wait3A_144 = tpu.memref_slice %arg6[%dma_wait3A_142, %dma_wait3A_143] : memref<512x128xf32, #tpu.memory_space<vmem>> -> memref<64x128xf32, #tpu.memory_space<vmem>>
    %dma_wait3A_145 = arith.constant 384 : i32
    %dma_wait3A_146 = tpu.memref_slice %arg5[%dma_wait3A_145] : memref<512xi32, #tpu.memory_space<vmem>> -> memref<64xi32, #tpu.memory_space<vmem>>
    %dma_wait3A_147 = arith.constant 0 : i32
    %dma_wait3A_148 = arith.constant 0 : i32
    %dma_wait3A_149 = tpu.memref_slice %arg7[%dma_wait3A_147, %dma_wait3A_148] : memref<1000x128xf32, #tpu.memory_space<vmem_shared>> -> memref<1000x128xf32, #tpu.memory_space<vmem_shared>>
    %dma_wait3A_150 = tpu.memref_slice %arg8[%dma_wait3A_141] : memref<5x!tpu.dma_semaphore, #tpu.memory_space<semaphore_mem>> -> memref<1x!tpu.dma_semaphore, #tpu.memory_space<semaphore_mem>>
    %dma_wait3A_151 = tpu.memref_squeeze %dma_wait3A_150 : memref<1x!tpu.dma_semaphore, #tpu.memory_space<semaphore_mem>> -> memref<!tpu.dma_semaphore, #tpu.memory_space<semaphore_mem>>
    tpu.wait_indirect_dma semaphore(%dma_wait3A_151 : memref<!tpu.dma_semaphore, #tpu.memory_space<semaphore_mem>>) src(%dma_wait3A_149 : memref<1000x128xf32, #tpu.memory_space<vmem_shared>>) dst(%dma_wait3A_144 : memref<64x128xf32, #tpu.memory_space<vmem>>)
    %add3A_152 = arith.constant 384 : i32
    %add3A_153 = arith.addi %mul3A_2, %add3A_152 : i32
    %dma_start3A_154 = arith.constant 384 : i32
    %dma_start3A_155 = arith.constant 0 : i32
    %dma_start3A_156 = tpu.memref_slice %arg6[%dma_start3A_154, %dma_start3A_155] : memref<512x128xf32, #tpu.memory_space<vmem>> -> memref<64x128xf32, #tpu.memory_space<vmem>>
    %dma_start3A_157 = arith.constant 0 : i32
    %dma_start3A_158 = tpu.memref_slice %arg4[%add3A_153, %dma_start3A_157] : memref<16384x128xf32, #tpu.memory_space<hbm>> -> memref<64x128xf32, #tpu.memory_space<hbm>>
    %dma_start3A_159 = arith.constant 0 : i32
    %dma_start3A_160 = tpu.memref_slice %arg4[%add3A_153, %dma_start3A_159] : memref<16384x128xf32, #tpu.memory_space<hbm>> -> memref<64x128xf32, #tpu.memory_space<hbm>>
    %dma_start3A_161 = arith.constant 384 : i32
    %dma_start3A_162 = arith.constant 0 : i32
    %dma_start3A_163 = tpu.memref_slice %arg6[%dma_start3A_161, %dma_start3A_162] : memref<512x128xf32, #tpu.memory_space<vmem>> -> memref<64x128xf32, #tpu.memory_space<vmem>>
    tpu.enqueue_dma source(%dma_start3A_163 : memref<64x128xf32, #tpu.memory_space<vmem>>) target(%dma_start3A_160 : memref<64x128xf32, #tpu.memory_space<hbm>>) target_semaphore(%arg9 : memref<!tpu.dma_semaphore, #tpu.memory_space<semaphore_mem>>)
    %dma_wait3A_164 = arith.constant 4 : i32
    %dma_wait3A_165 = arith.constant 448 : i32
    %dma_wait3A_166 = arith.constant 0 : i32
    %dma_wait3A_167 = tpu.memref_slice %arg6[%dma_wait3A_165, %dma_wait3A_166] : memref<512x128xf32, #tpu.memory_space<vmem>> -> memref<64x128xf32, #tpu.memory_space<vmem>>
    %dma_wait3A_168 = arith.constant 448 : i32
    %dma_wait3A_169 = tpu.memref_slice %arg5[%dma_wait3A_168] : memref<512xi32, #tpu.memory_space<vmem>> -> memref<64xi32, #tpu.memory_space<vmem>>
    %dma_wait3A_170 = arith.constant 0 : i32
    %dma_wait3A_171 = arith.constant 0 : i32
    %dma_wait3A_172 = tpu.memref_slice %arg7[%dma_wait3A_170, %dma_wait3A_171] : memref<1000x128xf32, #tpu.memory_space<vmem_shared>> -> memref<1000x128xf32, #tpu.memory_space<vmem_shared>>
    %dma_wait3A_173 = tpu.memref_slice %arg8[%dma_wait3A_164] : memref<5x!tpu.dma_semaphore, #tpu.memory_space<semaphore_mem>> -> memref<1x!tpu.dma_semaphore, #tpu.memory_space<semaphore_mem>>
    %dma_wait3A_174 = tpu.memref_squeeze %dma_wait3A_173 : memref<1x!tpu.dma_semaphore, #tpu.memory_space<semaphore_mem>> -> memref<!tpu.dma_semaphore, #tpu.memory_space<semaphore_mem>>
    tpu.wait_indirect_dma semaphore(%dma_wait3A_174 : memref<!tpu.dma_semaphore, #tpu.memory_space<semaphore_mem>>) src(%dma_wait3A_172 : memref<1000x128xf32, #tpu.memory_space<vmem_shared>>) dst(%dma_wait3A_167 : memref<64x128xf32, #tpu.memory_space<vmem>>)
    %add3A_175 = arith.constant 448 : i32
    %add3A_176 = arith.addi %mul3A_2, %add3A_175 : i32
    %dma_start3A_177 = arith.constant 448 : i32
    %dma_start3A_178 = arith.constant 0 : i32
    %dma_start3A_179 = tpu.memref_slice %arg6[%dma_start3A_177, %dma_start3A_178] : memref<512x128xf32, #tpu.memory_space<vmem>> -> memref<64x128xf32, #tpu.memory_space<vmem>>
    %dma_start3A_180 = arith.constant 0 : i32
    %dma_start3A_181 = tpu.memref_slice %arg4[%add3A_176, %dma_start3A_180] : memref<16384x128xf32, #tpu.memory_space<hbm>> -> memref<64x128xf32, #tpu.memory_space<hbm>>
    %dma_start3A_182 = arith.constant 0 : i32
    %dma_start3A_183 = tpu.memref_slice %arg4[%add3A_176, %dma_start3A_182] : memref<16384x128xf32, #tpu.memory_space<hbm>> -> memref<64x128xf32, #tpu.memory_space<hbm>>
    %dma_start3A_184 = arith.constant 448 : i32
    %dma_start3A_185 = arith.constant 0 : i32
    %dma_start3A_186 = tpu.memref_slice %arg6[%dma_start3A_184, %dma_start3A_185] : memref<512x128xf32, #tpu.memory_space<vmem>> -> memref<64x128xf32, #tpu.memory_space<vmem>>
    tpu.enqueue_dma source(%dma_start3A_186 : memref<64x128xf32, #tpu.memory_space<vmem>>) target(%dma_start3A_183 : memref<64x128xf32, #tpu.memory_space<hbm>>) target_semaphore(%arg9 : memref<!tpu.dma_semaphore, #tpu.memory_space<semaphore_mem>>)
    %dma_wait3A_187 = arith.constant 0 : i32
    %dma_wait3A_188 = arith.constant 0 : i32
    %dma_wait3A_189 = tpu.memref_slice %arg6[%dma_wait3A_187, %dma_wait3A_188] : memref<512x128xf32, #tpu.memory_space<vmem>> -> memref<128x128xf32, #tpu.memory_space<vmem>>
    %dma_wait3A_190 = arith.constant 0 : i32
    %dma_wait3A_191 = tpu.memref_slice %arg4[%add3A_84, %dma_wait3A_190] : memref<16384x128xf32, #tpu.memory_space<hbm>> -> memref<128x128xf32, #tpu.memory_space<hbm>>
    %dma_wait3A_192 = arith.constant 0 : i32
    %dma_wait3A_193 = tpu.memref_slice %arg4[%add3A_84, %dma_wait3A_192] : memref<16384x128xf32, #tpu.memory_space<hbm>> -> memref<128x128xf32, #tpu.memory_space<hbm>>
    %dma_wait3A_194 = arith.constant 0 : i32
    %dma_wait3A_195 = arith.constant 0 : i32
    %dma_wait3A_196 = tpu.memref_slice %arg6[%dma_wait3A_194, %dma_wait3A_195] : memref<512x128xf32, #tpu.memory_space<vmem>> -> memref<128x128xf32, #tpu.memory_space<vmem>>
    tpu.wait_dma2 semaphore(%arg9 : memref<!tpu.dma_semaphore, #tpu.memory_space<semaphore_mem>>) src(%dma_wait3A_196 : memref<128x128xf32, #tpu.memory_space<vmem>>) dst(%dma_wait3A_193 : memref<128x128xf32, #tpu.memory_space<hbm>>)
    %dma_wait3A_197 = arith.constant 128 : i32
    %dma_wait3A_198 = arith.constant 0 : i32
    %dma_wait3A_199 = tpu.memref_slice %arg6[%dma_wait3A_197, %dma_wait3A_198] : memref<512x128xf32, #tpu.memory_space<vmem>> -> memref<128x128xf32, #tpu.memory_space<vmem>>
    %dma_wait3A_200 = arith.constant 0 : i32
    %dma_wait3A_201 = tpu.memref_slice %arg4[%add3A_107, %dma_wait3A_200] : memref<16384x128xf32, #tpu.memory_space<hbm>> -> memref<128x128xf32, #tpu.memory_space<hbm>>
    %dma_wait3A_202 = arith.constant 0 : i32
    %dma_wait3A_203 = tpu.memref_slice %arg4[%add3A_107, %dma_wait3A_202] : memref<16384x128xf32, #tpu.memory_space<hbm>> -> memref<128x128xf32, #tpu.memory_space<hbm>>
    %dma_wait3A_204 = arith.constant 128 : i32
    %dma_wait3A_205 = arith.constant 0 : i32
    %dma_wait3A_206 = tpu.memref_slice %arg6[%dma_wait3A_204, %dma_wait3A_205] : memref<512x128xf32, #tpu.memory_space<vmem>> -> memref<128x128xf32, #tpu.memory_space<vmem>>
    tpu.wait_dma2 semaphore(%arg9 : memref<!tpu.dma_semaphore, #tpu.memory_space<semaphore_mem>>) src(%dma_wait3A_206 : memref<128x128xf32, #tpu.memory_space<vmem>>) dst(%dma_wait3A_203 : memref<128x128xf32, #tpu.memory_space<hbm>>)
    %dma_wait3A_207 = arith.constant 256 : i32
    %dma_wait3A_208 = arith.constant 0 : i32
    %dma_wait3A_209 = tpu.memref_slice %arg6[%dma_wait3A_207, %dma_wait3A_208] : memref<512x128xf32, #tpu.memory_space<vmem>> -> memref<128x128xf32, #tpu.memory_space<vmem>>
    %dma_wait3A_210 = arith.constant 0 : i32
    %dma_wait3A_211 = tpu.memref_slice %arg4[%add3A_130, %dma_wait3A_210] : memref<16384x128xf32, #tpu.memory_space<hbm>> -> memref<128x128xf32, #tpu.memory_space<hbm>>
    %dma_wait3A_212 = arith.constant 0 : i32
    %dma_wait3A_213 = tpu.memref_slice %arg4[%add3A_130, %dma_wait3A_212] : memref<16384x128xf32, #tpu.memory_space<hbm>> -> memref<128x128xf32, #tpu.memory_space<hbm>>
    %dma_wait3A_214 = arith.constant 256 : i32
    %dma_wait3A_215 = arith.constant 0 : i32
    %dma_wait3A_216 = tpu.memref_slice %arg6[%dma_wait3A_214, %dma_wait3A_215] : memref<512x128xf32, #tpu.memory_space<vmem>> -> memref<128x128xf32, #tpu.memory_space<vmem>>
    tpu.wait_dma2 semaphore(%arg9 : memref<!tpu.dma_semaphore, #tpu.memory_space<semaphore_mem>>) src(%dma_wait3A_216 : memref<128x128xf32, #tpu.memory_space<vmem>>) dst(%dma_wait3A_213 : memref<128x128xf32, #tpu.memory_space<hbm>>)
    %dma_wait3A_217 = arith.constant 384 : i32
    %dma_wait3A_218 = arith.constant 0 : i32
    %dma_wait3A_219 = tpu.memref_slice %arg6[%dma_wait3A_217, %dma_wait3A_218] : memref<512x128xf32, #tpu.memory_space<vmem>> -> memref<64x128xf32, #tpu.memory_space<vmem>>
    %dma_wait3A_220 = arith.constant 0 : i32
    %dma_wait3A_221 = tpu.memref_slice %arg4[%add3A_153, %dma_wait3A_220] : memref<16384x128xf32, #tpu.memory_space<hbm>> -> memref<64x128xf32, #tpu.memory_space<hbm>>
    %dma_wait3A_222 = arith.constant 0 : i32
    %dma_wait3A_223 = tpu.memref_slice %arg4[%add3A_153, %dma_wait3A_222] : memref<16384x128xf32, #tpu.memory_space<hbm>> -> memref<64x128xf32, #tpu.memory_space<hbm>>
    %dma_wait3A_224 = arith.constant 384 : i32
    %dma_wait3A_225 = arith.constant 0 : i32
    %dma_wait3A_226 = tpu.memref_slice %arg6[%dma_wait3A_224, %dma_wait3A_225] : memref<512x128xf32, #tpu.memory_space<vmem>> -> memref<64x128xf32, #tpu.memory_space<vmem>>
    tpu.wait_dma2 semaphore(%arg9 : memref<!tpu.dma_semaphore, #tpu.memory_space<semaphore_mem>>) src(%dma_wait3A_226 : memref<64x128xf32, #tpu.memory_space<vmem>>) dst(%dma_wait3A_223 : memref<64x128xf32, #tpu.memory_space<hbm>>)
    %dma_wait3A_227 = arith.constant 448 : i32
    %dma_wait3A_228 = arith.constant 0 : i32
    %dma_wait3A_229 = tpu.memref_slice %arg6[%dma_wait3A_227, %dma_wait3A_228] : memref<512x128xf32, #tpu.memory_space<vmem>> -> memref<64x128xf32, #tpu.memory_space<vmem>>
    %dma_wait3A_230 = arith.constant 0 : i32
    %dma_wait3A_231 = tpu.memref_slice %arg4[%add3A_176, %dma_wait3A_230] : memref<16384x128xf32, #tpu.memory_space<hbm>> -> memref<64x128xf32, #tpu.memory_space<hbm>>
    %dma_wait3A_232 = arith.constant 0 : i32
    %dma_wait3A_233 = tpu.memref_slice %arg4[%add3A_176, %dma_wait3A_232] : memref<16384x128xf32, #tpu.memory_space<hbm>> -> memref<64x128xf32, #tpu.memory_space<hbm>>
    %dma_wait3A_234 = arith.constant 448 : i32
    %dma_wait3A_235 = arith.constant 0 : i32
    %dma_wait3A_236 = tpu.memref_slice %arg6[%dma_wait3A_234, %dma_wait3A_235] : memref<512x128xf32, #tpu.memory_space<vmem>> -> memref<64x128xf32, #tpu.memory_space<vmem>>
    tpu.wait_dma2 semaphore(%arg9 : memref<!tpu.dma_semaphore, #tpu.memory_space<semaphore_mem>>) src(%dma_wait3A_236 : memref<64x128xf32, #tpu.memory_space<vmem>>) dst(%dma_wait3A_233 : memref<64x128xf32, #tpu.memory_space<hbm>>)
    return
  }
}

</mosaic_0001>

<sc_bundles>
// kernel: kernel.3.cloned.1.call-start
scs
__scs_entry_jumppad:
0x0: {  	(pc) =	sbr.rel $0x88, $3  }
0x1: {  	(tag) =	ssettag $0x0;
	lr =	simm.s32 $0x1  }
0x2: {  	[smem:$0x3F9F] =	sst lr;
	_ =	strace $0xD0000000  }
0x3: {  	_ = 	snop  }
0x4: {  	_ = 	snop  }
0x5: {  	_ = 	snop  }
0x6: {  	_ = 	snop  }
0x7: {  	_ = 	snop  }
__scs_overlays_trampoline_lowered:
0x8: {  	[smem:$0x3FAE] =	sst s0  }
0x9: {  	[smem:$0x3FAF] =	sst s1  }
0xa: {  	[smem:$0x3FB0] =	sst s2  }
0xb: {  	[smem:$0x3FB1] =	sst s3  }
0xc: {  	[smem:$0x3FB2] =	sst s4  }
0xd: {  	[smem:$0x3FB3] =	sst s5  }
0xe: {  	[smem:$0x3FB4] =	sst s6  }
0xf: {  	[smem:$0x3FB5] =	sst s7  }
0x10: {  	[smem:$0x3FB6] =	sst s8  }
0x11: {  	[smem:$0x3FB7] =	sst s9;
	s0 =	simm.s32 @!p0 $0x0  }
0x12: {  	s1 =	sld [smem:$0x3F9D];
	s0 =	simm.s32 @p0 $0x1  }
0x13: {  	[smem:$0x3FB8] =	sst s0;
	s0 =	simm.s32 @!p1 $0x0  }
0x14: {  	s2 =	sld [smem:$0x3F9C];
	s0 =	simm.s32 @p1 $0x1  }
0x15: {  	[smem:$0x3FB9] =	sst s0;
	s0 =	simm.s32 @!p2 $0x0  }
0x16: {  	s3 =	sld [smem:$0x3FDB];
	s0 =	simm.s32 @p2 $0x1  }
0x17: {  	s4 =	simm.s32 $0x1BF5;
	[smem:$0x3FBB] =	sst s0  }
0x18: {  	s0 =	sld [smem:$0x3F9E];
	_ =	swait.ge [sflag:s4], $0x0  }
0x19: {  	s7 =	sld [smem:$0x3F9F]  }
0x1a: {  	s8 =	sadd.s32 $0xFFFFE003, lr  }
0x1b: {  	s9 =	sadd.s32 $0xFFFFFEF7, lr;
	s5 =	simm.s32 $0xFFFFFFFF;
	p2 =	slt.u32 s8, $0xFFFFF086  }
0x1c: {  	p1 =	slt.u32 s9, $0xF7A;
	s5 =	simm.s32 @!p2 $0x0  }
0x1d: {  	s5 =	simm.s32 @p1 $0x1;
	p0 =	seq.s32 s7, s2  }
0x1e: {  	s7 =	smul.u32 @!p0 $0xF7A, s2;
	p2 =	seq.s32 @!p0 s5, $0x0  }
0x1f: {  	s9 =	smul.u32 $0xF7A, s1;
	s8 =	simm.s32 @!p0 $0x1BF5;
	p2 =	por !p2, p0  }
0x20: {  	[sflag:s8] =	ssyncset.s32 @!p0 $0xFFFFF086;
	s6 =	sadd.s32 @!p0 s3, s7;
	s7 =	simm.s32 @!p0 $0x108  }
0x21: {  	s3 =	sadd.s32 s3, s9;
	s6 =	sadd.s32 @!p0 $0x88, s6;
	s7 =	simm.s32 @p2 $0x1082  }
0x22: {  	[simem:s7], [sflag:s8] =	dma.local @!p0 [hbm:s6], $0xF7A  }
0x23: {  	s9 =	sor.u32 $0xD0000000, s2;
	s6 =	simm.s32 $0x108;
	_ =	swait.ge @!p0 [sflag:s8], $0x0  }
0x24: {  	s3 =	sadd.s32 $0x88, s3;
	s6 =	simm.s32 @!p1 $0x1082;
	[sflag:s4] =	ssyncset.s32 $0xFFFFF086  }
0x25: {  	[simem:s6], [sflag:s4] =	dma.local [hbm:s3], $0xF7A  }
0x26: {  	[smem:$0x3F9F] =	sst s1;
	(tag) =	ssettag s2;
	_ =	strace s9  }
0x27: {  	s1 =	sld [smem:$0x3FAF]  }
0x28: {  	s2 =	sld [smem:$0x3FB0]  }
0x29: {  	s4 =	sld [smem:$0x3FB2]  }
0x2a: {  	p0 =	seq.s32 s5, $0x0;
	s5 =	sld [smem:$0x3FB3]  }
0x2b: {  	s6 =	sld [smem:$0x3FB4]  }
0x2c: {  	s7 =	sld [smem:$0x3FB5]  }
0x2d: {  	s3 =	simm.s32 $0x108;
	s8 =	sld [smem:$0x3FB6]  }
0x2e: {  	s3 =	simm.s32 @!p0 $0x1082;
	s9 =	sld [smem:$0x3FB7]  }
0x2f: {  	lr =	sadd.s32 s0, s3;
	s0 =	sld [smem:$0x3FAE]  }
0x30: {  	s3 =	sld [smem:$0x3FB1]  }
0x31: {  	[smem:$0x3FBA] =	sst s10  }
0x32: {  	s10 =	sld [smem:$0x3FB8];
	_ =	sdelay $0x3  }
0x33: {  	p0 =	seq.s32 s10, $0x1;
	s10 =	sld [smem:$0x3FBA];
	_ =	sdelay $0x3  }
0x34: {  	[smem:$0x3FBA] =	sst s10  }
0x35: {  	s10 =	sld [smem:$0x3FB9];
	_ =	sdelay $0x3  }
0x36: {  	p1 =	seq.s32 s10, $0x1;
	s10 =	sld [smem:$0x3FBA];
	_ =	sdelay $0x3  }
0x37: {  	[smem:$0x3FBA] =	sst s10  }
0x38: {  	s10 =	sld [smem:$0x3FBB]  }
0x39: {  	_ = 	snop;
	(pc) =	sbr.ind lr, $3  }
0x3a: {  	_ = 	snop  }
0x3b: {  	_ = 	snop  }
0x3c: {  	p2 =	seq.s32 s10, $0x1;
	s10 =	sld [smem:$0x3FBA]  }
0x3d: {  	_ =	shalt  }
0x3e: {  	_ =	shalt  }
0x3f: {  	_ =	shalt  }
0x40: {  	_ =	shalt  }
0x41: {  	_ =	shalt  }
0x42: {  	_ =	shalt  }
0x43: {  	_ =	shalt  }
0x44: {  	_ =	shalt  }
0x45: {  	_ =	shalt  }
0x46: {  	_ =	shalt  }
0x47: {  	_ =	shalt  }
0x48: {  	_ =	shalt  }
0x49: {  	_ =	shalt  }
0x4a: {  	_ =	shalt  }
0x4b: {  	_ =	shalt  }
0x4c: {  	_ =	shalt  }
0x4d: {  	_ =	shalt  }
0x4e: {  	_ =	shalt  }
0x4f: {  	_ =	shalt  }
0x50: {  	_ =	shalt  }
0x51: {  	_ =	shalt  }
0x52: {  	_ =	shalt  }
0x53: {  	_ =	shalt  }
0x54: {  	_ =	shalt  }
0x55: {  	_ =	shalt  }
0x56: {  	_ =	shalt  }
0x57: {  	_ =	shalt  }
0x58: {  	_ =	shalt  }
0x59: {  	_ =	shalt  }
0x5a: {  	_ =	shalt  }
0x5b: {  	_ =	shalt  }
0x5c: {  	_ =	shalt  }
0x5d: {  	_ =	shalt  }
0x5e: {  	_ =	shalt  }
0x5f: {  	_ =	shalt  }
0x60: {  	_ =	shalt  }
0x61: {  	_ =	shalt  }
0x62: {  	_ =	shalt  }
0x63: {  	_ =	shalt  }
0x64: {  	_ =	shalt  }
0x65: {  	_ =	shalt  }
0x66: {  	_ =	shalt  }
0x67: {  	_ =	shalt  }
0x68: {  	_ =	shalt  }
0x69: {  	_ =	shalt  }
0x6a: {  	_ =	shalt  }
0x6b: {  	_ =	shalt  }
0x6c: {  	_ =	shalt  }
0x6d: {  	_ =	shalt  }
0x6e: {  	_ =	shalt  }
0x6f: {  	_ =	shalt  }
0x70: {  	_ =	shalt  }
0x71: {  	_ =	shalt  }
0x72: {  	_ =	shalt  }
0x73: {  	_ =	shalt  }
0x74: {  	_ =	shalt  }
0x75: {  	_ =	shalt  }
0x76: {  	_ =	shalt  }
0x77: {  	_ =	shalt  }
0x78: {  	_ =	shalt  }
0x79: {  	_ =	shalt  }
0x7a: {  	_ =	shalt  }
0x7b: {  	_ =	shalt  }
0x7c: {  	_ =	shalt  }
0x7d: {  	_ =	shalt  }
0x7e: {  	_ =	shalt  }
0x7f: {  	_ =	shalt  }
0x80: {  	_ =	shalt  }
0x81: {  	_ =	shalt  }
0x82: {  	_ =	shalt  }
0x83: {  	_ =	shalt  }
0x84: {  	_ =	shalt  }
0x85: {  	_ =	shalt  }
0x86: {  	_ =	shalt  }
0x87: {  	_ =	shalt  }
.Lfunc_end0:
.L_simem_size_0:
called_computation_lowered:
.L_overlay_start_0:
0x88: {  	s2 =	sld [smem:$0x3FD9]  }
0x89: {  	s3 =	sld [smem:$0x3FFE];
	_ =	sdelay $0x1  }
0x8a: {  	s1 =	srdreg.scid  }
0x8b: {  	s0 =	sand.u32 $0x1, s1  }
0x8c: {  	s18 =	sshll.u32 s0, $0xA;
	s2 =	sadd.s32 s3, s2  }
0x8d: {  	s2 =	sadd.s32 s2, s18  }
0x8e: {  	[smem:$0x3FC6] =	sst s2  }
0x8f: {  	_ = 	snop  }
0x90: {  	s2 =	sld [smem:$0x3FC9]  }
0x91: {  	s19 =	sld [smem:$0x3FC8]  }
0x92: {  	s4 =	sld [smem:$0x3FD0];
	(tm) =	ssettm $0x1  }
0x93: {  	s5 =	sld [smem:$0x3FFB];
	_ =	sdelay $0x3  }
0x94: {  	_ =	strace s5  }
0x95: {  	s5 =	sld [smem:$0x3FFC];
	_ =	sdelay $0x3  }
0x96: {  	_ =	strace s5  }
0x97: {  	s5 =	sld [smem:$0x3FFD];
	_ =	sdelay $0x3  }
0x98: {  	_ =	strace s5  }
0x99: {  	_ =	strace $0x8FFFFFFF  }
0x9a: {  	s20 =	sld [smem:$0x3FDB];
	_ =	sdelay $0x1  }
0x9b: {  	s6 =	simm.s32 $_scs_section_size  }
0x9c: {  	s7 =	simm.s32 $_size__tile_overlayer_lowered;
	s8 =	simm.s32 $_tile_overlayer_lowered  }
0x9d: {  	s23 =	simm.s32 $0x1BFF;
	s22 =	sshll.u32 s8, $0x1;
	s5 =	sadd.s32 s6, s20  }
0x9e: {  	s9 =	simm.s32 $0x0;
	s21 =	sshll.u32 s7, $0x1;
	s7 =	sadd.s32 s22, s5  }
0x9f: {  	[timem:s9], [sflag:s23] =	dma.local [hbm:s7], s21  }
0xa0: {  	_ =	swait.ge [sflag:s23], s21  }
0xa1: {  	s6 =	ssub.s32 $0x0, s21;
	[sflag:s23] =	ssyncset.done $0x0  }
0xa2: {  	[sflag:s23] =	ssyncadd.s32 s6;
	_ =	sdelay $0x1  }
0xa3: {  	s24 =	simm.s32 $0x1B8B  }
0xa4: {  	_ =	swait.ge [sflag:s24], $0x1  }
0xa5: {  	[sflag:s24] =	ssyncset.done $0x0  }
0xa6: {  	s25 =	simm.s32 $0x1B8E;
	[sflag:s24] =	ssyncadd.s32 $0xFFFFFFFF  }
0xa7: {  	s26 =	simm.s32 $execute0_lowered;
	[smem:$0x3FD2] =	sst s25  }
0xa8: {  	s6 =	sshll.u32 s26, $0x1;
	_ =	strace $0x80000046;
	[dreg:$0x1] =	wrdreg $0xFFFFFFFF  }
0xa9: {  	s28 =	simm.s32 $_size_execute0_lowered;
	s5 =	sadd.s32 s5, s6;
	[dreg:$0x0] =	wrdreg $0x0  }
0xaa: {  	s6 =	sshll.u32 s28, $0x1;
	[dreg:$0x2] =	wrdreg s5  }
0xab: {  	[dreg:$0x3] =	wrdreg s6  }
0xac: {  	[dreg:$0x4] =	wrdreg $0xC0  }
0xad: {  	_ =	task [dreg:s9], $0x5FFFF  }
0xae: {  	[dreg:$0x1] =	wrdreg $0xFFFFFFFF  }
0xaf: {  	[dreg:$0x0] =	wrdreg $0x60  }
0xb0: {  	[dreg:$0x2] =	wrdreg s2  }
0xb1: {  	[dreg:$0x3] =	wrdreg s19  }
0xb2: {  	[dreg:$0x4] =	wrdreg s4  }
0xb3: {  	[dreg:$0x5] =	wrdreg $0x102000  }
0xb4: {  	[dreg:$0x6] =	wrdreg $0x9  }
0xb5: {  	_ =	task.clear_ibuf [dreg:s9], $0x7FFFF;
	_ =	strace $0x90000046  }
0xb6: {  	s29 =	simm.s32 $0x9;
	_ =	strace $0x80000048  }
0xb7: {  	_ =	swait.ge [sflag:s29], $0x1  }
0xb8: {  	[sflag:s29] =	ssyncadd.s32 $0xFFFFFFFF  }
0xb9: {  	_ =	strace $0x90000048  }
0xba: {  	_ =	sfence  }
0xbb: {  	s30 =	sld [smem:$0x0];
	_ =	sdelay $0x2  }
0xbc: {  	s31 =	sshll.u32 s1, $0xD;
	s1 =	sshrl.u32 s1, $0x2  }
0xbd: {  	s3 =	sand.u32 $0x4000, s31;
	s1 =	sadd.s32 s1, s30  }
0xbe: {  	s0 =	sor.u32 s3, s0;
	s1 =	sshll.u32 s1, $0x11  }
0xbf: {  	s0 =	sor.u32 s1, s0  }
0xc0: {  	s0 =	sadd.s32 $0x8F2B, s0  }
0xc1: {  	[sflag:s0] =	ssyncadd.remote.s32 $0x1  }
0xc2: {  	_ =	sfence.sel $0xFFFF  }
0xc3: {  	[dreg:$0x0] =	wrdreg $0xFFFFFFFF;
	(pc) =	sbr.abs _section_cstart, $3  }
0xc4: {  	[dreg:$0x1] =	wrdreg $0xFFFFFFFF  }
0xc5: {  	_ =	task.clear_ibuf [dreg:s9], $0x2FFFF;
	_ =	strace $0x9FFFFFFF  }
0xc6: {  	(tm) =	ssettm $0x7FFFFFFF  }
0xc7: {  	_ =	shalt  }
tec
execute0_lowered:
.L_overlay_start_1:
0x0: {  	(tag) =	ssettag $0x1  }
0x1: {  	s0 =	rddreg [dreg:$0x0]  }
0x2: {  	s5 =	rddreg [dreg:$0x1]  }
0x3: {  	s1 =	rddreg [dreg:$0x2]  }
0x4: {  	s3 =	rddreg [dreg:$0x3]  }
0x5: {  	s4 =	srdreg.scid;
	s29 =	rddreg [dreg:$0x4]  }
0x6: {  	s2 =	simm.s32 $0x0;
	s30 =	stileid.u32;
	s17 =	simm.s32 $0x80  }
0x7: {  	s14 =	simm.s32 $0x200;
	s12 =	simm.s32 $0x4200;
	s19 =	simm.s32 $0x100  }
0x8: {  	s11 =	simm.s32 $0x8200;
	s20 =	simm.s32 $0x40;
	s10 =	simm.s32 $0xC200  }
0x9: {  	s18 =	simm.s32 $0x2;
	s15 =	simm.s32 $0x3;
	p1 =	por $0x0, $0x0  }
0xa: {  	s16 =	simm.s32 $0x4;
	s13 =	simm.s32 $0x5;
	s4 =	sand.u32 $0x1, s4  }
0xb: {  	[smem:$0x7FF] =	sst s2;
	s8 =	sshll.u32 s30, $0xA;
	s22 =	sshll.u32 s30, $0xD  }
0xc: {  	s23 =	sadd.s32 $0x3C00, s5;
	p0 =	sne.s32 s30, $0xF;
	s6 =	ssub.s32 $0x2, s4  }
0xd: {  	_ =	strace $0x80000047;
	s4 =	sshll.u32 s4, $0x9;
	s21 =	sadd.s32 s5, s8  }
0xe: {  	[dreg:$0x6] =	wrdreg s23;
	s23 =	simm.s32 $0x1C0;
	s7 =	sshrl.u32 s6, $0x1  }
0xf: {  	s4 =	sor.u32 s4, s8;
	[dreg:$0x5] =	wrdreg s21;
	s8 =	sadd.s32 $0x1E000, s3  }
0x10: {  	s21 =	simm.s32 $0x180;
	s9 =	ssub.s32 s6, s7;
	s24 =	sshrl.u32 s4, $0x3  }
0x11: {  	s4 =	sshll.u32 s4, $0x4;
	s0 =	sadd.s32 s0, s24;
	s31 =	smax.u32 s9, $0x1  }
0x12: {  	s7 =	sadd.s32 s1, s4;
	[dreg:$0x7] =	wrdreg s0;
	s0 =	sadd.s32 $0xFFFFFFFF, s31  }
0x13: {  	s1 =	sadd.s32 s22, s3;
	s9 =	sshll.u32 @p0 s30, $0x6;
	p2 =	sne.s32 s0, $0x0  }
.Ltmp0:
0x14: {  	s24 =	simm.s32 $0x8;
	s22 =	simm.s32 $0x1;
	(pc) =	sbr.rel @!p2 .LBB2_5-.Ltmp0, $4  }
0x15: {  	s25 =	sadd.s32 $0x800, s7;
	s28 =	sshrl.u32 @p0 s1, $0x3;
	s1 =	rddreg [dreg:$0x5]  }
0x16: {  	s26 =	sadd.s32 $0x1000, s7;
	s6 =	sadd.s32 $0x1800, s7;
	[dreg:$0x8] =	wrdreg s25  }
0x17: {  	s4 =	sadd.s32 $0x1C00, s7;
	[dreg:$0x9] =	wrdreg s26;
	s26 =	sor.u32 @p0 $0x1C07, s9  }
0x18: {  	s25 =	sshrl.u32 @!p0 s8, $0x3;
	s9 =	simm.s32 $0xE200;
	s8 =	simm.s32 $0x6  }
0x19: {  	[spmem:s28], [sflag:s26] =	dma.local @p0 [hbm:s1], $0x400  }
0x1a: {  	s29 =	simm.s32 @!p0 $0x1FC7;
	s1 =	rddreg [dreg:$0x6]  }
0x1b: {  	[spmem:s25], [sflag:s29] =	dma.local @!p0 [hbm:s1], $0x280  }
0x1c: {  	s1 =	rddreg [dreg:$0x7]  }
0x1d: {  	[tilespmem:s2], [sflag:$0x8] =	stream.linear.gather [hbm4b:s1+s2], $0x200, $0x38;
	[tilespmem:$0x12140] =	vst v63  }
0x1e: {  	_ =	swait.ge [sflag:s24], $0x200  }
0x1f: {  	[sflag:s24] =	ssyncset.done $0x0  }
0x20: {  	s30 =	simm.s32 @p0 $0x7;
	[sflag:s24] =	ssyncadd.s32 $0xFFFFFE00  }
0x21: {  	[tilespmem:s14], [sflag:$0x1] =	stream.indirect.gather [hbm4b:s5+s17], $0x80, s2, s17, $0xb8;
	[tilespmem:$0x12140] =	vst v63  }
0x22: {  	_ =	swait.ge @p0 [sflag:s30], $0x400  }
0x23: {  	[sflag:s30] =	ssyncset.done @p0 $0x0  }
0x24: {  	s31 =	simm.s32 @!p0 $0x7;
	[sflag:s30] =	ssyncadd.s32 @p0 $0xFFFFFC00  }
0x25: {  	_ =	swait.ge @!p0 [sflag:s31], $0x280  }
0x26: {  	[sflag:s31] =	ssyncset.done @!p0 $0x0  }
0x27: {  	[sflag:s31] =	ssyncadd.s32 @!p0 $0xFFFFFD80  }
0x28: {  	[bflag:$0x0] =	sbarrier.arrive $0xFFFF  }
0x29: {  	[tilespmem:s12], [sflag:$0x2] =	stream.indirect.gather [spmem:s3], $0x80, s17, s17, $0xb8;
	[tilespmem:$0x12140] =	vst v63  }
0x2a: {  	_ = 	snop  }
0x2b: {  	[tilespmem:s11], [sflag:$0x3] =	stream.indirect.gather [spmem:s3], $0x80, s19, s17, $0xb8;
	[tilespmem:$0x12140] =	vst v63  }
0x2c: {  	_ = 	snop  }
0x2d: {  	[tilespmem:s10], [sflag:$0x4] =	stream.indirect.gather [spmem:s3], $0x80, s21, s20, $0xb8;
	[tilespmem:$0x12140] =	vst v63  }
0x2e: {  	_ = 	snop  }
0x2f: {  	[tilespmem:s9], [sflag:$0x5] =	stream.indirect.gather [spmem:s3], $0x80, s23, s20, $0xb8;
	[tilespmem:$0x12140] =	vst v63  }
0x30: {  	_ =	swait.ge [sflag:s22], $0x4000  }
0x31: {  	[sflag:s22] =	ssyncset.done $0x0  }
0x32: {  	[sflag:s22] =	ssyncadd.s32 $0xFFFFC000  }
0x33: {  	[hbm4b:s7+s2] =	stream.linear.scatter [tilespmem:s14], [sflag:$0x6], $0x4000, $0x38;
	[tilespmem:$0x12140] =	vst v63  }
0x34: {  	_ =	swait.ge [sflag:s18], $0x4000  }
0x35: {  	[sflag:s18] =	ssyncset.done $0x0  }
0x36: {  	s1 =	rddreg [dreg:$0x8];
	[sflag:s18] =	ssyncadd.s32 $0xFFFFC000  }
0x37: {  	[hbm4b:s1+s2] =	stream.linear.scatter [tilespmem:s12], [sflag:$0x6], $0x4000, $0x38;
	[tilespmem:$0x12140] =	vst v63  }
0x38: {  	_ =	swait.ge [sflag:s15], $0x4000  }
0x39: {  	[sflag:s15] =	ssyncset.done $0x0  }
0x3a: {  	s1 =	rddreg [dreg:$0x9];
	[sflag:s15] =	ssyncadd.s32 $0xFFFFC000  }
0x3b: {  	[hbm4b:s1+s2] =	stream.linear.scatter [tilespmem:s11], [sflag:$0x6], $0x4000, $0x38;
	[tilespmem:$0x12140] =	vst v63  }
0x3c: {  	_ =	swait.ge [sflag:s16], $0x2000  }
0x3d: {  	[sflag:s16] =	ssyncset.done $0x0  }
0x3e: {  	[sflag:s16] =	ssyncadd.s32 $0xFFFFE000  }
0x3f: {  	[hbm4b:s6+s2] =	stream.linear.scatter [tilespmem:s10], [sflag:$0x6], $0x2000, $0x38;
	[tilespmem:$0x12140] =	vst v63  }
0x40: {  	_ =	swait.ge [sflag:s13], $0x2000  }
0x41: {  	[sflag:s13] =	ssyncset.done $0x0  }
0x42: {  	[sflag:s13] =	ssyncadd.s32 $0xFFFFE000  }
0x43: {  	[hbm4b:s4+s2] =	stream.linear.scatter [tilespmem:s9], [sflag:$0x6], $0x2000, $0x38;
	[tilespmem:$0x12140] =	vst v63  }
0x44: {  	_ =	swait.ge [sflag:s8], $0x4000  }
0x45: {  	[sflag:s8] =	ssyncset.done $0x0  }
0x46: {  	[sflag:s8] =	ssyncadd.s32 $0xFFFFC000  }
0x47: {  	_ =	swait.ge [sflag:s8], $0x4000  }
0x48: {  	[sflag:s8] =	ssyncset.done $0x0  }
0x49: {  	[sflag:s8] =	ssyncadd.s32 $0xFFFFC000  }
0x4a: {  	_ =	swait.ge [sflag:s8], $0x4000  }
0x4b: {  	s0 =	sadd.s32 $0xFFFFFFFF, s0;
	[sflag:s8] =	ssyncset.done $0x0  }
0x4c: {  	p2 =	sne.s32 s0, $0x0;
	[sflag:s8] =	ssyncadd.s32 $0xFFFFC000  }
.Ltmp1:
0x4d: {  	_ =	swait.ge [sflag:s8], $0x2000;
	(pc) =	sbr.rel @!p2 .LBB2_2-.Ltmp1, $4  }
0x4e: {  	[sflag:s8] =	ssyncset.done $0x0  }
0x4f: {  	[sflag:s8] =	ssyncadd.s32 $0xFFFFE000  }
0x50: {  	_ =	swait.ge [sflag:s8], $0x2000  }
0x51: {  	p1 =	por $0x1, $0x1;
	s1 =	rddreg [dreg:$0x5];
	[sflag:s8] =	ssyncset.done $0x0  }
.LBB2_3:
0x52: {  	[sflag:s8] =	ssyncadd.s32 $0xFFFFE000  }
0x53: {  	[spmem:s28], [sflag:s26] =	dma.local @p0 [hbm:s1], $0x400  }
0x54: {  	s1 =	rddreg [dreg:$0x6]  }
0x55: {  	[spmem:s25], [sflag:s29] =	dma.local @!p0 [hbm:s1], $0x280  }
0x56: {  	s1 =	rddreg [dreg:$0x7]  }
0x57: {  	[tilespmem:s2], [sflag:$0x8] =	stream.linear.gather [hbm4b:s1+s2], $0x200, $0x38;
	[tilespmem:$0x12140] =	vst v63  }
0x58: {  	_ =	swait.ge [sflag:s24], $0x200  }
0x59: {  	[sflag:s24] =	ssyncset.done $0x0  }
0x5a: {  	[sflag:s24] =	ssyncadd.s32 $0xFFFFFE00  }
0x5b: {  	[tilespmem:s14], [sflag:$0x1] =	stream.indirect.gather [hbm4b:s5+s17], $0x80, s2, s17, $0xb8;
	[tilespmem:$0x12140] =	vst v63  }
0x5c: {  	_ =	swait.ge @p0 [sflag:s30], $0x400  }
0x5d: {  	[sflag:s30] =	ssyncset.done @p0 $0x0  }
0x5e: {  	[sflag:s30] =	ssyncadd.s32 @p0 $0xFFFFFC00  }
0x5f: {  	_ =	swait.ge @!p0 [sflag:s31], $0x280  }
0x60: {  	[sflag:s31] =	ssyncset.done @!p0 $0x0  }
0x61: {  	[sflag:s31] =	ssyncadd.s32 @!p0 $0xFFFFFD80  }
0x62: {  	[bflag:$0x0] =	sbarrier.arrive $0xFFFF  }
0x63: {  	[tilespmem:s12], [sflag:$0x2] =	stream.indirect.gather [spmem:s3], $0x80, s17, s17, $0xb8;
	[tilespmem:$0x12140] =	vst v63  }
0x64: {  	_ = 	snop  }
0x65: {  	[tilespmem:s11], [sflag:$0x3] =	stream.indirect.gather [spmem:s3], $0x80, s19, s17, $0xb8;
	[tilespmem:$0x12140] =	vst v63  }
0x66: {  	_ = 	snop  }
0x67: {  	[tilespmem:s10], [sflag:$0x4] =	stream.indirect.gather [spmem:s3], $0x80, s21, s20, $0xb8;
	[tilespmem:$0x12140] =	vst v63  }
0x68: {  	_ = 	snop  }
0x69: {  	[tilespmem:s9], [sflag:$0x5] =	stream.indirect.gather [spmem:s3], $0x80, s23, s20, $0xb8;
	[tilespmem:$0x12140] =	vst v63  }
0x6a: {  	_ =	swait.ge [sflag:s22], $0x4000  }
0x6b: {  	[sflag:s22] =	ssyncset.done $0x0  }
0x6c: {  	[sflag:s22] =	ssyncadd.s32 $0xFFFFC000  }
0x6d: {  	[hbm4b:s7+s2] =	stream.linear.scatter [tilespmem:s14], [sflag:$0x6], $0x4000, $0x38;
	[tilespmem:$0x12140] =	vst v63  }
0x6e: {  	_ =	swait.ge [sflag:s18], $0x4000  }
0x6f: {  	[sflag:s18] =	ssyncset.done $0x0  }
0x70: {  	s1 =	rddreg [dreg:$0x8];
	[sflag:s18] =	ssyncadd.s32 $0xFFFFC000  }
0x71: {  	[hbm4b:s1+s2] =	stream.linear.scatter [tilespmem:s12], [sflag:$0x6], $0x4000, $0x38;
	[tilespmem:$0x12140] =	vst v63  }
0x72: {  	_ =	swait.ge [sflag:s15], $0x4000  }
0x73: {  	[sflag:s15] =	ssyncset.done $0x0  }
0x74: {  	s1 =	rddreg [dreg:$0x9];
	[sflag:s15] =	ssyncadd.s32 $0xFFFFC000  }
0x75: {  	[hbm4b:s1+s2] =	stream.linear.scatter [tilespmem:s11], [sflag:$0x6], $0x4000, $0x38;
	[tilespmem:$0x12140] =	vst v63  }
0x76: {  	_ =	swait.ge [sflag:s16], $0x2000  }
0x77: {  	[sflag:s16] =	ssyncset.done $0x0  }
0x78: {  	[sflag:s16] =	ssyncadd.s32 $0xFFFFE000  }
0x79: {  	[hbm4b:s6+s2] =	stream.linear.scatter [tilespmem:s10], [sflag:$0x6], $0x2000, $0x38;
	[tilespmem:$0x12140] =	vst v63  }
0x7a: {  	_ =	swait.ge [sflag:s13], $0x2000  }
0x7b: {  	[sflag:s13] =	ssyncset.done $0x0  }
0x7c: {  	[sflag:s13] =	ssyncadd.s32 $0xFFFFE000  }
0x7d: {  	[hbm4b:s4+s2] =	stream.linear.scatter [tilespmem:s9], [sflag:$0x6], $0x2000, $0x38;
	[tilespmem:$0x12140] =	vst v63  }
0x7e: {  	_ =	swait.ge [sflag:s8], $0x4000  }
0x7f: {  	[sflag:s8] =	ssyncset.done $0x0  }
0x80: {  	[sflag:s8] =	ssyncadd.s32 $0xFFFFC000  }
0x81: {  	_ =	swait.ge [sflag:s8], $0x4000  }
0x82: {  	[sflag:s8] =	ssyncset.done $0x0  }
0x83: {  	[sflag:s8] =	ssyncadd.s32 $0xFFFFC000  }
0x84: {  	_ =	swait.ge [sflag:s8], $0x4000  }
0x85: {  	s0 =	sadd.s32 $0xFFFFFFFF, s0;
	[sflag:s8] =	ssyncset.done $0x0  }
0x86: {  	p2 =	sne.s32 s0, $0x0;
	[sflag:s8] =	ssyncadd.s32 $0xFFFFC000  }
.Ltmp2:
0x87: {  	_ =	swait.ge [sflag:s8], $0x2000;
	(pc) =	sbr.rel @p2 .LBB2_3-.Ltmp2, $4  }
0x88: {  	[sflag:s8] =	ssyncset.done $0x0  }
0x89: {  	[sflag:s8] =	ssyncadd.s32 $0xFFFFE000  }
0x8a: {  	_ =	swait.ge [sflag:s8], $0x2000  }
0x8b: {  	s1 =	rddreg [dreg:$0x5];
	[sflag:s8] =	ssyncset.done $0x0  }
0x8c: {  	s29 =	rddreg [dreg:$0x4];
	s30 =	stileid.u32  }
.LBB2_5:
0x8d: {  	[sflag:s8] =	ssyncadd.s32 @p1 $0xFFFFE000  }
0x8e: {  	[spmem:s28], [sflag:s26] =	dma.local @p0 [hbm:s1], $0x400  }
0x8f: {  	s1 =	simm.s32 @!p0 $0x1FC7;
	s0 =	rddreg [dreg:$0x6]  }
0x90: {  	[spmem:s25], [sflag:s1] =	dma.local @!p0 [hbm:s0], $0x280  }
0x91: {  	s0 =	rddreg [dreg:$0x7]  }
0x92: {  	[tilespmem:s2], [sflag:$0x8] =	stream.linear.gather [hbm4b:s0+s2], $0x200, $0x38;
	[tilespmem:$0x12140] =	vst v63  }
0x93: {  	_ =	swait.ge [sflag:s24], $0x200  }
0x94: {  	[sflag:s24] =	ssyncset.done $0x0  }
0x95: {  	s0 =	simm.s32 @p0 $0x7;
	[sflag:s24] =	ssyncadd.s32 $0xFFFFFE00  }
0x96: {  	[tilespmem:s14], [sflag:$0x1] =	stream.indirect.gather [hbm4b:s5+s17], $0x80, s2, s17, $0xb8;
	[tilespmem:$0x12140] =	vst v63  }
0x97: {  	_ =	swait.ge @p0 [sflag:s0], $0x400  }
0x98: {  	[sflag:s0] =	ssyncset.done @p0 $0x0  }
0x99: {  	[sflag:s0] =	ssyncadd.s32 @p0 $0xFFFFFC00;
	s0 =	simm.s32 @!p0 $0x7  }
0x9a: {  	_ =	swait.ge @!p0 [sflag:s0], $0x280  }
0x9b: {  	[sflag:s0] =	ssyncset.done @!p0 $0x0  }
0x9c: {  	[sflag:s0] =	ssyncadd.s32 @!p0 $0xFFFFFD80  }
0x9d: {  	[bflag:$0x0] =	sbarrier.arrive $0xFFFF  }
0x9e: {  	[tilespmem:s12], [sflag:$0x2] =	stream.indirect.gather [spmem:s3], $0x80, s17, s17, $0xb8;
	[tilespmem:$0x12140] =	vst v63  }
0x9f: {  	_ = 	snop  }
0xa0: {  	[tilespmem:s11], [sflag:$0x3] =	stream.indirect.gather [spmem:s3], $0x80, s19, s17, $0xb8;
	[tilespmem:$0x12140] =	vst v63  }
0xa1: {  	_ = 	snop  }
0xa2: {  	[tilespmem:s10], [sflag:$0x4] =	stream.indirect.gather [spmem:s3], $0x80, s21, s20, $0xb8;
	[tilespmem:$0x12140] =	vst v63  }
0xa3: {  	_ = 	snop  }
0xa4: {  	[tilespmem:s9], [sflag:$0x5] =	stream.indirect.gather [spmem:s3], $0x80, s23, s20, $0xb8;
	[tilespmem:$0x12140] =	vst v63  }
0xa5: {  	_ =	swait.ge [sflag:s22], $0x4000  }
0xa6: {  	[sflag:s22] =	ssyncset.done $0x0  }
0xa7: {  	[sflag:s22] =	ssyncadd.s32 $0xFFFFC000  }
0xa8: {  	[hbm4b:s7+s2] =	stream.linear.scatter [tilespmem:s14], [sflag:$0x6], $0x4000, $0x38;
	[tilespmem:$0x12140] =	vst v63  }
0xa9: {  	_ =	swait.ge [sflag:s18], $0x4000  }
0xaa: {  	[sflag:s18] =	ssyncset.done $0x0  }
0xab: {  	s28 =	rddreg [dreg:$0x8];
	[sflag:s18] =	ssyncadd.s32 $0xFFFFC000  }
0xac: {  	[hbm4b:s28+s2] =	stream.linear.scatter [tilespmem:s12], [sflag:$0x6], $0x4000, $0x38;
	[tilespmem:$0x12140] =	vst v63  }
0xad: {  	_ =	swait.ge [sflag:s15], $0x4000  }
0xae: {  	[sflag:s15] =	ssyncset.done $0x0  }
0xaf: {  	s31 =	rddreg [dreg:$0x9];
	[sflag:s15] =	ssyncadd.s32 $0xFFFFC000  }
0xb0: {  	[hbm4b:s31+s2] =	stream.linear.scatter [tilespmem:s11], [sflag:$0x6], $0x4000, $0x38;
	[tilespmem:$0x12140] =	vst v63  }
0xb1: {  	_ =	swait.ge [sflag:s16], $0x2000  }
0xb2: {  	[sflag:s16] =	ssyncset.done $0x0  }
0xb3: {  	[sflag:s16] =	ssyncadd.s32 $0xFFFFE000  }
0xb4: {  	[hbm4b:s6+s2] =	stream.linear.scatter [tilespmem:s10], [sflag:$0x6], $0x2000, $0x38;
	[tilespmem:$0x12140] =	vst v63  }
0xb5: {  	_ =	swait.ge [sflag:s13], $0x2000  }
0xb6: {  	[sflag:s13] =	ssyncset.done $0x0  }
0xb7: {  	[sflag:s13] =	ssyncadd.s32 $0xFFFFE000  }
0xb8: {  	[hbm4b:s4+s2] =	stream.linear.scatter [tilespmem:s9], [sflag:$0x6], $0x2000, $0x38;
	[tilespmem:$0x12140] =	vst v63  }
0xb9: {  	_ =	swait.ge [sflag:s8], $0x4000  }
0xba: {  	[sflag:s8] =	ssyncset.done $0x0  }
0xbb: {  	[sflag:s8] =	ssyncadd.s32 $0xFFFFC000  }
0xbc: {  	_ =	swait.ge [sflag:s8], $0x4000  }
0xbd: {  	[sflag:s8] =	ssyncset.done $0x0  }
0xbe: {  	[sflag:s8] =	ssyncadd.s32 $0xFFFFC000  }
0xbf: {  	_ =	swait.ge [sflag:s8], $0x4000  }
0xc0: {  	[sflag:s8] =	ssyncset.done $0x0  }
0xc1: {  	[sflag:s8] =	ssyncadd.s32 $0xFFFFC000  }
0xc2: {  	_ =	swait.ge [sflag:s8], $0x2000  }
0xc3: {  	[sflag:s8] =	ssyncset.done $0x0  }
0xc4: {  	[sflag:s8] =	ssyncadd.s32 $0xFFFFE000  }
0xc5: {  	_ =	swait.ge [sflag:s8], $0x2000  }
0xc6: {  	[sflag:s8] =	ssyncset.done $0x0  }
0xc7: {  	[sflag:s8] =	ssyncadd.s32 $0xFFFFE000  }
0xc8: {  	_ =	sfence.sel $0x180000  }
0xc9: {  	[bflag:$0x0] =	sbarrier.arrive $0xFFFF  }
0xca: {  	p0 =	sne.s32 s30, $0x0;
	_ =	strace $0x90000047  }
0xcb: {  	s0 =	sadd.s32 @!p0 $0x100000, s29;
	[bflag:$0x2] =	sbarrier.arrive $0xFFFF  }
0xcc: {  	[sflag:s0] =	ssyncadd.tile.s32 @!p0 $0x1;
	_ =	shalt  }
.LBB2_2:
.Ltmp3:
0xcd: {  	(pc) =	sbr.rel .LBB2_5-.Ltmp3, $2  }
0xce: {  	_ =	sdelay $0x2  }
0xcf: {  	s29 =	rddreg [dreg:$0x4];
	s30 =	stileid.u32  }
.Lfunc_end2:
_tile_overlayer_lowered:
.L_overlay_start_2:
0xd0: {  	(tag) =	ssettag $0x2  }
0xd1: {  	s0 =	rddreg [dreg:$0x0];
	s2 =	stileid.u32  }
0xd2: {  	s1 =	rddreg [dreg:$0x1];
	p0 =	sne.s32 s2, $0x0  }
0xd3: {  	s3 =	rddreg [dreg:$0x2];
	[bflag:$0x3] =	sbarrier.arrive $0xFFFF;
	s2 =	simm.s32 @!p0 $0x1C08  }
0xd4: {  	[timem:s3], [sflag:s2] =	dma.local @!p0 [hbm:s0], s1  }
0xd5: {  	s0 =	simm.s32 @!p0 $0x8  }
0xd6: {  	_ =	swait.ge @!p0 [sflag:s0], s1  }
0xd7: {  	s1 =	ssub.s32 @!p0 $0x0, s1;
	[sflag:s0] =	ssyncset.done @!p0 $0x0  }
0xd8: {  	[sflag:s0] =	ssyncadd.s32 @!p0 s1  }
0xd9: {  	[bflag:$0x3] =	sbarrier.arrive $0xFFFF  }
0xda: {  	_ =	shalt  }

</sc_bundles>
